<compile_context>
chip_gen: v7x
topology: tpu7x:2x2x1
jax: 0.10.2.dev20260603
libtpu: 0.0.44.dev20260713+nightly
codegen_flags: <defaults>
</compile_context>

<pallas_src>
import functools

import jax
import jax.numpy as jnp
from jax import lax
from jax.experimental import pallas as pl
from jax.experimental.pallas import tpu as pltpu
from jax.experimental.pallas import tpu_sc as plsc

B = 16384
D = 64

_info = plsc.get_sparse_core_info()
NC = _info.num_cores
NS = _info.num_subcores
NW = NC * NS
B_PER_W = B // NW

_mesh = plsc.VectorSubcoreMesh(core_axis_name="c", subcore_axis_name="s")


@functools.partial(
    pl.kernel,
    mesh=_mesh,
    out_type=jax.ShapeDtypeStruct((B, D), jnp.float32),
    scratch_types=[
        pltpu.VMEM((B_PER_W,), jnp.int32),
        pltpu.VMEM((B_PER_W, D), jnp.float32),
        pltpu.SemaphoreType.DMA,
        pltpu.SemaphoreType.DMA,
    ],
)
def _embed_sc(table_hbm, idx_hbm, out_hbm, idx_v, rows_v, sem_i, sem):
    wid = lax.axis_index("s") * NC + lax.axis_index("c")
    base = wid * B_PER_W
    pltpu.async_copy(idx_hbm.at[wid], idx_v, sem_i).wait()

    def body(c, _):
        v = idx_v[pl.ds(c * 16, 16)]
        base_i = c * 16
        for k in range(16):
            pltpu.make_async_copy(
                table_hbm.at[v[k]], rows_v.at[base_i + k], sem
            ).start()
        return ()

    lax.fori_loop(0, B_PER_W // 16, body, ())
    pltpu.make_async_copy(table_hbm.at[pl.ds(0, B_PER_W)], rows_v, sem).wait()
    pltpu.sync_copy(rows_v, out_hbm.at[pl.ds(base, B_PER_W)])


def kernel(labels, embedding_table):
    idx = labels.astype(jnp.int32).reshape(NW, B_PER_W)
    return _embed_sc(embedding_table, idx)

# --- scband reference (transcript-rebuilt; emitter-appended) ---
"""Pipeline reference for scband-label-embedder-19198503813413 (READ-ONLY COPY).

The authoritative reference and input builder live on the scoring server;
editing this copy changes nothing except your own understanding.
"""

import jax, jax.numpy as jnp
import numpy as np

NUM_CLASSES = 1000000
HIDDEN_SIZE = 64
DROPOUT_PROB = 0.1  # > 0 -> table has num_classes + 1 rows (CFG null embedding)


def setup_inputs(seed: int = 0) -> dict:
    key = jax.random.key(seed)
    k_lab, k_emb = jax.random.split(key)
    labels = jax.random.randint(k_lab, (16384,), 0, NUM_CLASSES, dtype=jnp.int64 if jax.config.jax_enable_x64 else jnp.int32)
    # flax nn.Embed default init: normal(stddev=1.0) scaled variance; use normal here
    embedding_table = jax.random.normal(k_emb, (NUM_CLASSES + 1, HIDDEN_SIZE), dtype=jnp.float32) * 0.02
    return {"labels": labels, "embedding_table": embedding_table}


def reference(labels, embedding_table):
    # train=False, force_drop_ids=None -> no token_drop branch taken
    embeddings = jnp.take(embedding_table, labels, axis=0)
    return embeddings

if __name__ == "__main__":
    import jax
    _d = setup_inputs()
    print(jax.jit(kernel)(*tuple(_d.values())))

</pallas_src>

<mosaic_0001>
#map = affine_map<(d0, d1) -> (0, 0)>
module attributes {stable_mosaic.version = 14 : i64} {
  func.func @_embed_sc(%arg0: i32, %arg1: i32, %arg2: memref<1000001x64xf32, #tpu.memory_space<hbm>>, %arg3: memref<32x512xi32, #tpu.memory_space<hbm>>, %arg4: memref<16384x64xf32, #tpu.memory_space<hbm>>, %arg5: memref<512xi32, #tpu.memory_space<vmem>>, %arg6: memref<512x64xf32, #tpu.memory_space<vmem>>, %arg7: memref<!tpu.dma_semaphore, #tpu.memory_space<semaphore_mem>>, %arg8: memref<!tpu.dma_semaphore, #tpu.memory_space<semaphore_mem>>) attributes {dimension_semantics = [#tpu.dimension_semantics<core_parallel>, #tpu.dimension_semantics<subcore_parallel>], iteration_bounds = array<i64: 2, 16>, scalar_prefetch = 0 : i64, scratch_operands = 4 : i64, tpu.core_type = #tpu.core_type<sc_vector_subcore>, window_params = [{transform_indices = #map}, {transform_indices = #map}, {transform_indices = #map}]} {
    %mul3A = arith.constant 2 : i32
    %mul3A_0 = arith.muli %arg1, %mul3A : i32
    %add3A = arith.addi %mul3A_0, %arg0 : i32
    %mul3A_1 = arith.constant 512 : i32
    %mul3A_2 = arith.muli %add3A, %mul3A_1 : i32
    %dma_start3A = arith.constant 0 : i32
    %dma_start3A_3 = tpu.memref_slice %arg3[%add3A, %dma_start3A] : memref<32x512xi32, #tpu.memory_space<hbm>> -> memref<1x512xi32, #tpu.memory_space<hbm>>
    %dma_start3A_4 = tpu.memref_squeeze %dma_start3A_3 : memref<1x512xi32, #tpu.memory_space<hbm>> -> memref<512xi32, #tpu.memory_space<hbm>>
    %dma_start3A_5 = arith.constant 0 : i32
    %dma_start3A_6 = tpu.memref_slice %arg3[%add3A, %dma_start3A_5] : memref<32x512xi32, #tpu.memory_space<hbm>> -> memref<1x512xi32, #tpu.memory_space<hbm>>
    %dma_start3A_7 = tpu.memref_squeeze %dma_start3A_6 : memref<1x512xi32, #tpu.memory_space<hbm>> -> memref<512xi32, #tpu.memory_space<hbm>>
    tpu.enqueue_dma source(%dma_start3A_7 : memref<512xi32, #tpu.memory_space<hbm>>) target(%arg5 : memref<512xi32, #tpu.memory_space<vmem>>) target_semaphore(%arg7 : memref<!tpu.dma_semaphore, #tpu.memory_space<semaphore_mem>>)
    %dma_wait3A = arith.constant 0 : i32
    %dma_wait3A_8 = tpu.memref_slice %arg3[%add3A, %dma_wait3A] : memref<32x512xi32, #tpu.memory_space<hbm>> -> memref<1x512xi32, #tpu.memory_space<hbm>>
    %dma_wait3A_9 = tpu.memref_squeeze %dma_wait3A_8 : memref<1x512xi32, #tpu.memory_space<hbm>> -> memref<512xi32, #tpu.memory_space<hbm>>
    %dma_wait3A_10 = arith.constant 0 : i32
    %dma_wait3A_11 = tpu.memref_slice %arg3[%add3A, %dma_wait3A_10] : memref<32x512xi32, #tpu.memory_space<hbm>> -> memref<1x512xi32, #tpu.memory_space<hbm>>
    %dma_wait3A_12 = tpu.memref_squeeze %dma_wait3A_11 : memref<1x512xi32, #tpu.memory_space<hbm>> -> memref<512xi32, #tpu.memory_space<hbm>>
    tpu.wait_dma2 semaphore(%arg7 : memref<!tpu.dma_semaphore, #tpu.memory_space<semaphore_mem>>) src(%dma_wait3A_12 : memref<512xi32, #tpu.memory_space<hbm>>) dst(%arg5 : memref<512xi32, #tpu.memory_space<vmem>>)
    %scan3A = arith.constant 0 : i32
    %scan3A_13 = arith.constant 32 : i32
    %scan3A_14 = arith.addi %scan3A, %scan3A_13 : i32
    %scan3A_15 = arith.constant 1 : i32
    scf.for %scan3A_23 = %scan3A to %scan3A_14 step %scan3A_15  : i32 {
      %mul3A_24 = arith.constant 16 : i32
      %mul3A_25 = arith.muli %scan3A_23, %mul3A_24 : i32
      %get3A = arith.index_cast %mul3A_25 : i32 to index
      %get3A_26 = tpu.vector_load %arg5[%get3A] {strides = array<i32>} : memref<512xi32, #tpu.memory_space<vmem>>, vector<16xi32>,
      %get3A_27 = vector.shape_cast %get3A_26 : vector<16xi32> to vector<16xi32>
      %mul3A_28 = arith.constant 16 : i32
      %mul3A_29 = arith.muli %scan3A_23, %mul3A_28 : i32
      %slice3A = vector.extract_strided_slice %get3A_27 {offsets = [0], sizes = [1], strides = [1]} : vector<16xi32> to vector<1xi32>
      %squeeze3A = vector.extract %slice3A[0] : i32 from vector<1xi32>
      %add3A_30 = arith.constant 0 : i32
      %add3A_31 = arith.addi %mul3A_29, %add3A_30 : i32
      %dma_start3A_32 = arith.constant 0 : i32
      %dma_start3A_33 = tpu.memref_slice %arg6[%add3A_31, %dma_start3A_32] : memref<512x64xf32, #tpu.memory_space<vmem>> -> memref<1x64xf32, #tpu.memory_space<vmem>>
      %dma_start3A_34 = tpu.memref_squeeze %dma_start3A_33 : memref<1x64xf32, #tpu.memory_space<vmem>> -> memref<64xf32, #tpu.memory_space<vmem>>
      %dma_start3A_35 = arith.constant 0 : i32
      %dma_start3A_36 = tpu.memref_slice %arg2[%squeeze3A, %dma_start3A_35] : memref<1000001x64xf32, #tpu.memory_space<hbm>> -> memref<1x64xf32, #tpu.memory_space<hbm>>
      %dma_start3A_37 = tpu.memref_squeeze %dma_start3A_36 : memref<1x64xf32, #tpu.memory_space<hbm>> -> memref<64xf32, #tpu.memory_space<hbm>>
      %dma_start3A_38 = arith.constant 0 : i32
      %dma_start3A_39 = tpu.memref_slice %arg6[%add3A_31, %dma_start3A_38] : memref<512x64xf32, #tpu.memory_space<vmem>> -> memref<1x64xf32, #tpu.memory_space<vmem>>
      %dma_start3A_40 = tpu.memref_squeeze %dma_start3A_39 : memref<1x64xf32, #tpu.memory_space<vmem>> -> memref<64xf32, #tpu.memory_space<vmem>>
      %dma_start3A_41 = arith.constant 0 : i32
      %dma_start3A_42 = tpu.memref_slice %arg2[%squeeze3A, %dma_start3A_41] : memref<1000001x64xf32, #tpu.memory_space<hbm>> -> memref<1x64xf32, #tpu.memory_space<hbm>>
      %dma_start3A_43 = tpu.memref_squeeze %dma_start3A_42 : memref<1x64xf32, #tpu.memory_space<hbm>> -> memref<64xf32, #tpu.memory_space<hbm>>
      tpu.enqueue_dma source(%dma_start3A_43 : memref<64xf32, #tpu.memory_space<hbm>>) target(%dma_start3A_40 : memref<64xf32, #tpu.memory_space<vmem>>) target_semaphore(%arg8 : memref<!tpu.dma_semaphore, #tpu.memory_space<semaphore_mem>>)
      %slice3A_44 = vector.extract_strided_slice %get3A_27 {offsets = [1], sizes = [1], strides = [1]} : vector<16xi32> to vector<1xi32>
      %squeeze3A_45 = vector.extract %slice3A_44[0] : i32 from vector<1xi32>
      %add3A_46 = arith.constant 1 : i32
      %add3A_47 = arith.addi %mul3A_29, %add3A_46 : i32
      %dma_start3A_48 = arith.constant 0 : i32
      %dma_start3A_49 = tpu.memref_slice %arg6[%add3A_47, %dma_start3A_48] : memref<512x64xf32, #tpu.memory_space<vmem>> -> memref<1x64xf32, #tpu.memory_space<vmem>>
      %dma_start3A_50 = tpu.memref_squeeze %dma_start3A_49 : memref<1x64xf32, #tpu.memory_space<vmem>> -> memref<64xf32, #tpu.memory_space<vmem>>
      %dma_start3A_51 = arith.constant 0 : i32
      %dma_start3A_52 = tpu.memref_slice %arg2[%squeeze3A_45, %dma_start3A_51] : memref<1000001x64xf32, #tpu.memory_space<hbm>> -> memref<1x64xf32, #tpu.memory_space<hbm>>
      %dma_start3A_53 = tpu.memref_squeeze %dma_start3A_52 : memref<1x64xf32, #tpu.memory_space<hbm>> -> memref<64xf32, #tpu.memory_space<hbm>>
      %dma_start3A_54 = arith.constant 0 : i32
      %dma_start3A_55 = tpu.memref_slice %arg6[%add3A_47, %dma_start3A_54] : memref<512x64xf32, #tpu.memory_space<vmem>> -> memref<1x64xf32, #tpu.memory_space<vmem>>
      %dma_start3A_56 = tpu.memref_squeeze %dma_start3A_55 : memref<1x64xf32, #tpu.memory_space<vmem>> -> memref<64xf32, #tpu.memory_space<vmem>>
      %dma_start3A_57 = arith.constant 0 : i32
      %dma_start3A_58 = tpu.memref_slice %arg2[%squeeze3A_45, %dma_start3A_57] : memref<1000001x64xf32, #tpu.memory_space<hbm>> -> memref<1x64xf32, #tpu.memory_space<hbm>>
      %dma_start3A_59 = tpu.memref_squeeze %dma_start3A_58 : memref<1x64xf32, #tpu.memory_space<hbm>> -> memref<64xf32, #tpu.memory_space<hbm>>
      tpu.enqueue_dma source(%dma_start3A_59 : memref<64xf32, #tpu.memory_space<hbm>>) target(%dma_start3A_56 : memref<64xf32, #tpu.memory_space<vmem>>) target_semaphore(%arg8 : memref<!tpu.dma_semaphore, #tpu.memory_space<semaphore_mem>>)
      %slice3A_60 = vector.extract_strided_slice %get3A_27 {offsets = [2], sizes = [1], strides = [1]} : vector<16xi32> to vector<1xi32>
      %squeeze3A_61 = vector.extract %slice3A_60[0] : i32 from vector<1xi32>
      %add3A_62 = arith.constant 2 : i32
      %add3A_63 = arith.addi %mul3A_29, %add3A_62 : i32
      %dma_start3A_64 = arith.constant 0 : i32
      %dma_start3A_65 = tpu.memref_slice %arg6[%add3A_63, %dma_start3A_64] : memref<512x64xf32, #tpu.memory_space<vmem>> -> memref<1x64xf32, #tpu.memory_space<vmem>>
      %dma_start3A_66 = tpu.memref_squeeze %dma_start3A_65 : memref<1x64xf32, #tpu.memory_space<vmem>> -> memref<64xf32, #tpu.memory_space<vmem>>
      %dma_start3A_67 = arith.constant 0 : i32
      %dma_start3A_68 = tpu.memref_slice %arg2[%squeeze3A_61, %dma_start3A_67] : memref<1000001x64xf32, #tpu.memory_space<hbm>> -> memref<1x64xf32, #tpu.memory_space<hbm>>
      %dma_start3A_69 = tpu.memref_squeeze %dma_start3A_68 : memref<1x64xf32, #tpu.memory_space<hbm>> -> memref<64xf32, #tpu.memory_space<hbm>>
      %dma_start3A_70 = arith.constant 0 : i32
      %dma_start3A_71 = tpu.memref_slice %arg6[%add3A_63, %dma_start3A_70] : memref<512x64xf32, #tpu.memory_space<vmem>> -> memref<1x64xf32, #tpu.memory_space<vmem>>
      %dma_start3A_72 = tpu.memref_squeeze %dma_start3A_71 : memref<1x64xf32, #tpu.memory_space<vmem>> -> memref<64xf32, #tpu.memory_space<vmem>>
      %dma_start3A_73 = arith.constant 0 : i32
      %dma_start3A_74 = tpu.memref_slice %arg2[%squeeze3A_61, %dma_start3A_73] : memref<1000001x64xf32, #tpu.memory_space<hbm>> -> memref<1x64xf32, #tpu.memory_space<hbm>>
      %dma_start3A_75 = tpu.memref_squeeze %dma_start3A_74 : memref<1x64xf32, #tpu.memory_space<hbm>> -> memref<64xf32, #tpu.memory_space<hbm>>
      tpu.enqueue_dma source(%dma_start3A_75 : memref<64xf32, #tpu.memory_space<hbm>>) target(%dma_start3A_72 : memref<64xf32, #tpu.memory_space<vmem>>) target_semaphore(%arg8 : memref<!tpu.dma_semaphore, #tpu.memory_space<semaphore_mem>>)
      %slice3A_76 = vector.extract_strided_slice %get3A_27 {offsets = [3], sizes = [1], strides = [1]} : vector<16xi32> to vector<1xi32>
      %squeeze3A_77 = vector.extract %slice3A_76[0] : i32 from vector<1xi32>
      %add3A_78 = arith.constant 3 : i32
      %add3A_79 = arith.addi %mul3A_29, %add3A_78 : i32
      %dma_start3A_80 = arith.constant 0 : i32
      %dma_start3A_81 = tpu.memref_slice %arg6[%add3A_79, %dma_start3A_80] : memref<512x64xf32, #tpu.memory_space<vmem>> -> memref<1x64xf32, #tpu.memory_space<vmem>>
      %dma_start3A_82 = tpu.memref_squeeze %dma_start3A_81 : memref<1x64xf32, #tpu.memory_space<vmem>> -> memref<64xf32, #tpu.memory_space<vmem>>
      %dma_start3A_83 = arith.constant 0 : i32
      %dma_start3A_84 = tpu.memref_slice %arg2[%squeeze3A_77, %dma_start3A_83] : memref<1000001x64xf32, #tpu.memory_space<hbm>> -> memref<1x64xf32, #tpu.memory_space<hbm>>
      %dma_start3A_85 = tpu.memref_squeeze %dma_start3A_84 : memref<1x64xf32, #tpu.memory_space<hbm>> -> memref<64xf32, #tpu.memory_space<hbm>>
      %dma_start3A_86 = arith.constant 0 : i32
      %dma_start3A_87 = tpu.memref_slice %arg6[%add3A_79, %dma_start3A_86] : memref<512x64xf32, #tpu.memory_space<vmem>> -> memref<1x64xf32, #tpu.memory_space<vmem>>
      %dma_start3A_88 = tpu.memref_squeeze %dma_start3A_87 : memref<1x64xf32, #tpu.memory_space<vmem>> -> memref<64xf32, #tpu.memory_space<vmem>>
      %dma_start3A_89 = arith.constant 0 : i32
      %dma_start3A_90 = tpu.memref_slice %arg2[%squeeze3A_77, %dma_start3A_89] : memref<1000001x64xf32, #tpu.memory_space<hbm>> -> memref<1x64xf32, #tpu.memory_space<hbm>>
      %dma_start3A_91 = tpu.memref_squeeze %dma_start3A_90 : memref<1x64xf32, #tpu.memory_space<hbm>> -> memref<64xf32, #tpu.memory_space<hbm>>
      tpu.enqueue_dma source(%dma_start3A_91 : memref<64xf32, #tpu.memory_space<hbm>>) target(%dma_start3A_88 : memref<64xf32, #tpu.memory_space<vmem>>) target_semaphore(%arg8 : memref<!tpu.dma_semaphore, #tpu.memory_space<semaphore_mem>>)
      %slice3A_92 = vector.extract_strided_slice %get3A_27 {offsets = [4], sizes = [1], strides = [1]} : vector<16xi32> to vector<1xi32>
      %squeeze3A_93 = vector.extract %slice3A_92[0] : i32 from vector<1xi32>
      %add3A_94 = arith.constant 4 : i32
      %add3A_95 = arith.addi %mul3A_29, %add3A_94 : i32
      %dma_start3A_96 = arith.constant 0 : i32
      %dma_start3A_97 = tpu.memref_slice %arg6[%add3A_95, %dma_start3A_96] : memref<512x64xf32, #tpu.memory_space<vmem>> -> memref<1x64xf32, #tpu.memory_space<vmem>>
      %dma_start3A_98 = tpu.memref_squeeze %dma_start3A_97 : memref<1x64xf32, #tpu.memory_space<vmem>> -> memref<64xf32, #tpu.memory_space<vmem>>
      %dma_start3A_99 = arith.constant 0 : i32
      %dma_start3A_100 = tpu.memref_slice %arg2[%squeeze3A_93, %dma_start3A_99] : memref<1000001x64xf32, #tpu.memory_space<hbm>> -> memref<1x64xf32, #tpu.memory_space<hbm>>
      %dma_start3A_101 = tpu.memref_squeeze %dma_start3A_100 : memref<1x64xf32, #tpu.memory_space<hbm>> -> memref<64xf32, #tpu.memory_space<hbm>>
      %dma_start3A_102 = arith.constant 0 : i32
      %dma_start3A_103 = tpu.memref_slice %arg6[%add3A_95, %dma_start3A_102] : memref<512x64xf32, #tpu.memory_space<vmem>> -> memref<1x64xf32, #tpu.memory_space<vmem>>
      %dma_start3A_104 = tpu.memref_squeeze %dma_start3A_103 : memref<1x64xf32, #tpu.memory_space<vmem>> -> memref<64xf32, #tpu.memory_space<vmem>>
      %dma_start3A_105 = arith.constant 0 : i32
      %dma_start3A_106 = tpu.memref_slice %arg2[%squeeze3A_93, %dma_start3A_105] : memref<1000001x64xf32, #tpu.memory_space<hbm>> -> memref<1x64xf32, #tpu.memory_space<hbm>>
      %dma_start3A_107 = tpu.memref_squeeze %dma_start3A_106 : memref<1x64xf32, #tpu.memory_space<hbm>> -> memref<64xf32, #tpu.memory_space<hbm>>
      tpu.enqueue_dma source(%dma_start3A_107 : memref<64xf32, #tpu.memory_space<hbm>>) target(%dma_start3A_104 : memref<64xf32, #tpu.memory_space<vmem>>) target_semaphore(%arg8 : memref<!tpu.dma_semaphore, #tpu.memory_space<semaphore_mem>>)
      %slice3A_108 = vector.extract_strided_slice %get3A_27 {offsets = [5], sizes = [1], strides = [1]} : vector<16xi32> to vector<1xi32>
      %squeeze3A_109 = vector.extract %slice3A_108[0] : i32 from vector<1xi32>
      %add3A_110 = arith.constant 5 : i32
      %add3A_111 = arith.addi %mul3A_29, %add3A_110 : i32
      %dma_start3A_112 = arith.constant 0 : i32
      %dma_start3A_113 = tpu.memref_slice %arg6[%add3A_111, %dma_start3A_112] : memref<512x64xf32, #tpu.memory_space<vmem>> -> memref<1x64xf32, #tpu.memory_space<vmem>>
      %dma_start3A_114 = tpu.memref_squeeze %dma_start3A_113 : memref<1x64xf32, #tpu.memory_space<vmem>> -> memref<64xf32, #tpu.memory_space<vmem>>
      %dma_start3A_115 = arith.constant 0 : i32
      %dma_start3A_116 = tpu.memref_slice %arg2[%squeeze3A_109, %dma_start3A_115] : memref<1000001x64xf32, #tpu.memory_space<hbm>> -> memref<1x64xf32, #tpu.memory_space<hbm>>
      %dma_start3A_117 = tpu.memref_squeeze %dma_start3A_116 : memref<1x64xf32, #tpu.memory_space<hbm>> -> memref<64xf32, #tpu.memory_space<hbm>>
      %dma_start3A_118 = arith.constant 0 : i32
      %dma_start3A_119 = tpu.memref_slice %arg6[%add3A_111, %dma_start3A_118] : memref<512x64xf32, #tpu.memory_space<vmem>> -> memref<1x64xf32, #tpu.memory_space<vmem>>
      %dma_start3A_120 = tpu.memref_squeeze %dma_start3A_119 : memref<1x64xf32, #tpu.memory_space<vmem>> -> memref<64xf32, #tpu.memory_space<vmem>>
      %dma_start3A_121 = arith.constant 0 : i32
      %dma_start3A_122 = tpu.memref_slice %arg2[%squeeze3A_109, %dma_start3A_121] : memref<1000001x64xf32, #tpu.memory_space<hbm>> -> memref<1x64xf32, #tpu.memory_space<hbm>>
      %dma_start3A_123 = tpu.memref_squeeze %dma_start3A_122 : memref<1x64xf32, #tpu.memory_space<hbm>> -> memref<64xf32, #tpu.memory_space<hbm>>
      tpu.enqueue_dma source(%dma_start3A_123 : memref<64xf32, #tpu.memory_space<hbm>>) target(%dma_start3A_120 : memref<64xf32, #tpu.memory_space<vmem>>) target_semaphore(%arg8 : memref<!tpu.dma_semaphore, #tpu.memory_space<semaphore_mem>>)
      %slice3A_124 = vector.extract_strided_slice %get3A_27 {offsets = [6], sizes = [1], strides = [1]} : vector<16xi32> to vector<1xi32>
      %squeeze3A_125 = vector.extract %slice3A_124[0] : i32 from vector<1xi32>
      %add3A_126 = arith.constant 6 : i32
      %add3A_127 = arith.addi %mul3A_29, %add3A_126 : i32
      %dma_start3A_128 = arith.constant 0 : i32
      %dma_start3A_129 = tpu.memref_slice %arg6[%add3A_127, %dma_start3A_128] : memref<512x64xf32, #tpu.memory_space<vmem>> -> memref<1x64xf32, #tpu.memory_space<vmem>>
      %dma_start3A_130 = tpu.memref_squeeze %dma_start3A_129 : memref<1x64xf32, #tpu.memory_space<vmem>> -> memref<64xf32, #tpu.memory_space<vmem>>
      %dma_start3A_131 = arith.constant 0 : i32
      %dma_start3A_132 = tpu.memref_slice %arg2[%squeeze3A_125, %dma_start3A_131] : memref<1000001x64xf32, #tpu.memory_space<hbm>> -> memref<1x64xf32, #tpu.memory_space<hbm>>
      %dma_start3A_133 = tpu.memref_squeeze %dma_start3A_132 : memref<1x64xf32, #tpu.memory_space<hbm>> -> memref<64xf32, #tpu.memory_space<hbm>>
      %dma_start3A_134 = arith.constant 0 : i32
      %dma_start3A_135 = tpu.memref_slice %arg6[%add3A_127, %dma_start3A_134] : memref<512x64xf32, #tpu.memory_space<vmem>> -> memref<1x64xf32, #tpu.memory_space<vmem>>
      %dma_start3A_136 = tpu.memref_squeeze %dma_start3A_135 : memref<1x64xf32, #tpu.memory_space<vmem>> -> memref<64xf32, #tpu.memory_space<vmem>>
      %dma_start3A_137 = arith.constant 0 : i32
      %dma_start3A_138 = tpu.memref_slice %arg2[%squeeze3A_125, %dma_start3A_137] : memref<1000001x64xf32, #tpu.memory_space<hbm>> -> memref<1x64xf32, #tpu.memory_space<hbm>>
      %dma_start3A_139 = tpu.memref_squeeze %dma_start3A_138 : memref<1x64xf32, #tpu.memory_space<hbm>> -> memref<64xf32, #tpu.memory_space<hbm>>
      tpu.enqueue_dma source(%dma_start3A_139 : memref<64xf32, #tpu.memory_space<hbm>>) target(%dma_start3A_136 : memref<64xf32, #tpu.memory_space<vmem>>) target_semaphore(%arg8 : memref<!tpu.dma_semaphore, #tpu.memory_space<semaphore_mem>>)
      %slice3A_140 = vector.extract_strided_slice %get3A_27 {offsets = [7], sizes = [1], strides = [1]} : vector<16xi32> to vector<1xi32>
      %squeeze3A_141 = vector.extract %slice3A_140[0] : i32 from vector<1xi32>
      %add3A_142 = arith.constant 7 : i32
      %add3A_143 = arith.addi %mul3A_29, %add3A_142 : i32
      %dma_start3A_144 = arith.constant 0 : i32
      %dma_start3A_145 = tpu.memref_slice %arg6[%add3A_143, %dma_start3A_144] : memref<512x64xf32, #tpu.memory_space<vmem>> -> memref<1x64xf32, #tpu.memory_space<vmem>>
      %dma_start3A_146 = tpu.memref_squeeze %dma_start3A_145 : memref<1x64xf32, #tpu.memory_space<vmem>> -> memref<64xf32, #tpu.memory_space<vmem>>
      %dma_start3A_147 = arith.constant 0 : i32
      %dma_start3A_148 = tpu.memref_slice %arg2[%squeeze3A_141, %dma_start3A_147] : memref<1000001x64xf32, #tpu.memory_space<hbm>> -> memref<1x64xf32, #tpu.memory_space<hbm>>
      %dma_start3A_149 = tpu.memref_squeeze %dma_start3A_148 : memref<1x64xf32, #tpu.memory_space<hbm>> -> memref<64xf32, #tpu.memory_space<hbm>>
      %dma_start3A_150 = arith.constant 0 : i32
      %dma_start3A_151 = tpu.memref_slice %arg6[%add3A_143, %dma_start3A_150] : memref<512x64xf32, #tpu.memory_space<vmem>> -> memref<1x64xf32, #tpu.memory_space<vmem>>
      %dma_start3A_152 = tpu.memref_squeeze %dma_start3A_151 : memref<1x64xf32, #tpu.memory_space<vmem>> -> memref<64xf32, #tpu.memory_space<vmem>>
      %dma_start3A_153 = arith.constant 0 : i32
      %dma_start3A_154 = tpu.memref_slice %arg2[%squeeze3A_141, %dma_start3A_153] : memref<1000001x64xf32, #tpu.memory_space<hbm>> -> memref<1x64xf32, #tpu.memory_space<hbm>>
      %dma_start3A_155 = tpu.memref_squeeze %dma_start3A_154 : memref<1x64xf32, #tpu.memory_space<hbm>> -> memref<64xf32, #tpu.memory_space<hbm>>
      tpu.enqueue_dma source(%dma_start3A_155 : memref<64xf32, #tpu.memory_space<hbm>>) target(%dma_start3A_152 : memref<64xf32, #tpu.memory_space<vmem>>) target_semaphore(%arg8 : memref<!tpu.dma_semaphore, #tpu.memory_space<semaphore_mem>>)
      %slice3A_156 = vector.extract_strided_slice %get3A_27 {offsets = [8], sizes = [1], strides = [1]} : vector<16xi32> to vector<1xi32>
      %squeeze3A_157 = vector.extract %slice3A_156[0] : i32 from vector<1xi32>
      %add3A_158 = arith.constant 8 : i32
      %add3A_159 = arith.addi %mul3A_29, %add3A_158 : i32
      %dma_start3A_160 = arith.constant 0 : i32
      %dma_start3A_161 = tpu.memref_slice %arg6[%add3A_159, %dma_start3A_160] : memref<512x64xf32, #tpu.memory_space<vmem>> -> memref<1x64xf32, #tpu.memory_space<vmem>>
      %dma_start3A_162 = tpu.memref_squeeze %dma_start3A_161 : memref<1x64xf32, #tpu.memory_space<vmem>> -> memref<64xf32, #tpu.memory_space<vmem>>
      %dma_start3A_163 = arith.constant 0 : i32
      %dma_start3A_164 = tpu.memref_slice %arg2[%squeeze3A_157, %dma_start3A_163] : memref<1000001x64xf32, #tpu.memory_space<hbm>> -> memref<1x64xf32, #tpu.memory_space<hbm>>
      %dma_start3A_165 = tpu.memref_squeeze %dma_start3A_164 : memref<1x64xf32, #tpu.memory_space<hbm>> -> memref<64xf32, #tpu.memory_space<hbm>>
      %dma_start3A_166 = arith.constant 0 : i32
      %dma_start3A_167 = tpu.memref_slice %arg6[%add3A_159, %dma_start3A_166] : memref<512x64xf32, #tpu.memory_space<vmem>> -> memref<1x64xf32, #tpu.memory_space<vmem>>
      %dma_start3A_168 = tpu.memref_squeeze %dma_start3A_167 : memref<1x64xf32, #tpu.memory_space<vmem>> -> memref<64xf32, #tpu.memory_space<vmem>>
      %dma_start3A_169 = arith.constant 0 : i32
      %dma_start3A_170 = tpu.memref_slice %arg2[%squeeze3A_157, %dma_start3A_169] : memref<1000001x64xf32, #tpu.memory_space<hbm>> -> memref<1x64xf32, #tpu.memory_space<hbm>>
      %dma_start3A_171 = tpu.memref_squeeze %dma_start3A_170 : memref<1x64xf32, #tpu.memory_space<hbm>> -> memref<64xf32, #tpu.memory_space<hbm>>
      tpu.enqueue_dma source(%dma_start3A_171 : memref<64xf32, #tpu.memory_space<hbm>>) target(%dma_start3A_168 : memref<64xf32, #tpu.memory_space<vmem>>) target_semaphore(%arg8 : memref<!tpu.dma_semaphore, #tpu.memory_space<semaphore_mem>>)
      %slice3A_172 = vector.extract_strided_slice %get3A_27 {offsets = [9], sizes = [1], strides = [1]} : vector<16xi32> to vector<1xi32>
      %squeeze3A_173 = vector.extract %slice3A_172[0] : i32 from vector<1xi32>
      %add3A_174 = arith.constant 9 : i32
      %add3A_175 = arith.addi %mul3A_29, %add3A_174 : i32
      %dma_start3A_176 = arith.constant 0 : i32
      %dma_start3A_177 = tpu.memref_slice %arg6[%add3A_175, %dma_start3A_176] : memref<512x64xf32, #tpu.memory_space<vmem>> -> memref<1x64xf32, #tpu.memory_space<vmem>>
      %dma_start3A_178 = tpu.memref_squeeze %dma_start3A_177 : memref<1x64xf32, #tpu.memory_space<vmem>> -> memref<64xf32, #tpu.memory_space<vmem>>
      %dma_start3A_179 = arith.constant 0 : i32
      %dma_start3A_180 = tpu.memref_slice %arg2[%squeeze3A_173, %dma_start3A_179] : memref<1000001x64xf32, #tpu.memory_space<hbm>> -> memref<1x64xf32, #tpu.memory_space<hbm>>
      %dma_start3A_181 = tpu.memref_squeeze %dma_start3A_180 : memref<1x64xf32, #tpu.memory_space<hbm>> -> memref<64xf32, #tpu.memory_space<hbm>>
      %dma_start3A_182 = arith.constant 0 : i32
      %dma_start3A_183 = tpu.memref_slice %arg6[%add3A_175, %dma_start3A_182] : memref<512x64xf32, #tpu.memory_space<vmem>> -> memref<1x64xf32, #tpu.memory_space<vmem>>
      %dma_start3A_184 = tpu.memref_squeeze %dma_start3A_183 : memref<1x64xf32, #tpu.memory_space<vmem>> -> memref<64xf32, #tpu.memory_space<vmem>>
      %dma_start3A_185 = arith.constant 0 : i32
      %dma_start3A_186 = tpu.memref_slice %arg2[%squeeze3A_173, %dma_start3A_185] : memref<1000001x64xf32, #tpu.memory_space<hbm>> -> memref<1x64xf32, #tpu.memory_space<hbm>>
      %dma_start3A_187 = tpu.memref_squeeze %dma_start3A_186 : memref<1x64xf32, #tpu.memory_space<hbm>> -> memref<64xf32, #tpu.memory_space<hbm>>
      tpu.enqueue_dma source(%dma_start3A_187 : memref<64xf32, #tpu.memory_space<hbm>>) target(%dma_start3A_184 : memref<64xf32, #tpu.memory_space<vmem>>) target_semaphore(%arg8 : memref<!tpu.dma_semaphore, #tpu.memory_space<semaphore_mem>>)
      %slice3A_188 = vector.extract_strided_slice %get3A_27 {offsets = [10], sizes = [1], strides = [1]} : vector<16xi32> to vector<1xi32>
      %squeeze3A_189 = vector.extract %slice3A_188[0] : i32 from vector<1xi32>
      %add3A_190 = arith.constant 10 : i32
      %add3A_191 = arith.addi %mul3A_29, %add3A_190 : i32
      %dma_start3A_192 = arith.constant 0 : i32
      %dma_start3A_193 = tpu.memref_slice %arg6[%add3A_191, %dma_start3A_192] : memref<512x64xf32, #tpu.memory_space<vmem>> -> memref<1x64xf32, #tpu.memory_space<vmem>>
      %dma_start3A_194 = tpu.memref_squeeze %dma_start3A_193 : memref<1x64xf32, #tpu.memory_space<vmem>> -> memref<64xf32, #tpu.memory_space<vmem>>
      %dma_start3A_195 = arith.constant 0 : i32
      %dma_start3A_196 = tpu.memref_slice %arg2[%squeeze3A_189, %dma_start3A_195] : memref<1000001x64xf32, #tpu.memory_space<hbm>> -> memref<1x64xf32, #tpu.memory_space<hbm>>
      %dma_start3A_197 = tpu.memref_squeeze %dma_start3A_196 : memref<1x64xf32, #tpu.memory_space<hbm>> -> memref<64xf32, #tpu.memory_space<hbm>>
      %dma_start3A_198 = arith.constant 0 : i32
      %dma_start3A_199 = tpu.memref_slice %arg6[%add3A_191, %dma_start3A_198] : memref<512x64xf32, #tpu.memory_space<vmem>> -> memref<1x64xf32, #tpu.memory_space<vmem>>
      %dma_start3A_200 = tpu.memref_squeeze %dma_start3A_199 : memref<1x64xf32, #tpu.memory_space<vmem>> -> memref<64xf32, #tpu.memory_space<vmem>>
      %dma_start3A_201 = arith.constant 0 : i32
      %dma_start3A_202 = tpu.memref_slice %arg2[%squeeze3A_189, %dma_start3A_201] : memref<1000001x64xf32, #tpu.memory_space<hbm>> -> memref<1x64xf32, #tpu.memory_space<hbm>>
      %dma_start3A_203 = tpu.memref_squeeze %dma_start3A_202 : memref<1x64xf32, #tpu.memory_space<hbm>> -> memref<64xf32, #tpu.memory_space<hbm>>
      tpu.enqueue_dma source(%dma_start3A_203 : memref<64xf32, #tpu.memory_space<hbm>>) target(%dma_start3A_200 : memref<64xf32, #tpu.memory_space<vmem>>) target_semaphore(%arg8 : memref<!tpu.dma_semaphore, #tpu.memory_space<semaphore_mem>>)
      %slice3A_204 = vector.extract_strided_slice %get3A_27 {offsets = [11], sizes = [1], strides = [1]} : vector<16xi32> to vector<1xi32>
      %squeeze3A_205 = vector.extract %slice3A_204[0] : i32 from vector<1xi32>
      %add3A_206 = arith.constant 11 : i32
      %add3A_207 = arith.addi %mul3A_29, %add3A_206 : i32
      %dma_start3A_208 = arith.constant 0 : i32
      %dma_start3A_209 = tpu.memref_slice %arg6[%add3A_207, %dma_start3A_208] : memref<512x64xf32, #tpu.memory_space<vmem>> -> memref<1x64xf32, #tpu.memory_space<vmem>>
      %dma_start3A_210 = tpu.memref_squeeze %dma_start3A_209 : memref<1x64xf32, #tpu.memory_space<vmem>> -> memref<64xf32, #tpu.memory_space<vmem>>
      %dma_start3A_211 = arith.constant 0 : i32
      %dma_start3A_212 = tpu.memref_slice %arg2[%squeeze3A_205, %dma_start3A_211] : memref<1000001x64xf32, #tpu.memory_space<hbm>> -> memref<1x64xf32, #tpu.memory_space<hbm>>
      %dma_start3A_213 = tpu.memref_squeeze %dma_start3A_212 : memref<1x64xf32, #tpu.memory_space<hbm>> -> memref<64xf32, #tpu.memory_space<hbm>>
      %dma_start3A_214 = arith.constant 0 : i32
      %dma_start3A_215 = tpu.memref_slice %arg6[%add3A_207, %dma_start3A_214] : memref<512x64xf32, #tpu.memory_space<vmem>> -> memref<1x64xf32, #tpu.memory_space<vmem>>
      %dma_start3A_216 = tpu.memref_squeeze %dma_start3A_215 : memref<1x64xf32, #tpu.memory_space<vmem>> -> memref<64xf32, #tpu.memory_space<vmem>>
      %dma_start3A_217 = arith.constant 0 : i32
      %dma_start3A_218 = tpu.memref_slice %arg2[%squeeze3A_205, %dma_start3A_217] : memref<1000001x64xf32, #tpu.memory_space<hbm>> -> memref<1x64xf32, #tpu.memory_space<hbm>>
      %dma_start3A_219 = tpu.memref_squeeze %dma_start3A_218 : memref<1x64xf32, #tpu.memory_space<hbm>> -> memref<64xf32, #tpu.memory_space<hbm>>
      tpu.enqueue_dma source(%dma_start3A_219 : memref<64xf32, #tpu.memory_space<hbm>>) target(%dma_start3A_216 : memref<64xf32, #tpu.memory_space<vmem>>) target_semaphore(%arg8 : memref<!tpu.dma_semaphore, #tpu.memory_space<semaphore_mem>>)
      %slice3A_220 = vector.extract_strided_slice %get3A_27 {offsets = [12], sizes = [1], strides = [1]} : vector<16xi32> to vector<1xi32>
      %squeeze3A_221 = vector.extract %slice3A_220[0] : i32 from vector<1xi32>
      %add3A_222 = arith.constant 12 : i32
      %add3A_223 = arith.addi %mul3A_29, %add3A_222 : i32
      %dma_start3A_224 = arith.constant 0 : i32
      %dma_start3A_225 = tpu.memref_slice %arg6[%add3A_223, %dma_start3A_224] : memref<512x64xf32, #tpu.memory_space<vmem>> -> memref<1x64xf32, #tpu.memory_space<vmem>>
      %dma_start3A_226 = tpu.memref_squeeze %dma_start3A_225 : memref<1x64xf32, #tpu.memory_space<vmem>> -> memref<64xf32, #tpu.memory_space<vmem>>
      %dma_start3A_227 = arith.constant 0 : i32
      %dma_start3A_228 = tpu.memref_slice %arg2[%squeeze3A_221, %dma_start3A_227] : memref<1000001x64xf32, #tpu.memory_space<hbm>> -> memref<1x64xf32, #tpu.memory_space<hbm>>
      %dma_start3A_229 = tpu.memref_squeeze %dma_start3A_228 : memref<1x64xf32, #tpu.memory_space<hbm>> -> memref<64xf32, #tpu.memory_space<hbm>>
      %dma_start3A_230 = arith.constant 0 : i32
      %dma_start3A_231 = tpu.memref_slice %arg6[%add3A_223, %dma_start3A_230] : memref<512x64xf32, #tpu.memory_space<vmem>> -> memref<1x64xf32, #tpu.memory_space<vmem>>
      %dma_start3A_232 = tpu.memref_squeeze %dma_start3A_231 : memref<1x64xf32, #tpu.memory_space<vmem>> -> memref<64xf32, #tpu.memory_space<vmem>>
      %dma_start3A_233 = arith.constant 0 : i32
      %dma_start3A_234 = tpu.memref_slice %arg2[%squeeze3A_221, %dma_start3A_233] : memref<1000001x64xf32, #tpu.memory_space<hbm>> -> memref<1x64xf32, #tpu.memory_space<hbm>>
      %dma_start3A_235 = tpu.memref_squeeze %dma_start3A_234 : memref<1x64xf32, #tpu.memory_space<hbm>> -> memref<64xf32, #tpu.memory_space<hbm>>
      tpu.enqueue_dma source(%dma_start3A_235 : memref<64xf32, #tpu.memory_space<hbm>>) target(%dma_start3A_232 : memref<64xf32, #tpu.memory_space<vmem>>) target_semaphore(%arg8 : memref<!tpu.dma_semaphore, #tpu.memory_space<semaphore_mem>>)
      %slice3A_236 = vector.extract_strided_slice %get3A_27 {offsets = [13], sizes = [1], strides = [1]} : vector<16xi32> to vector<1xi32>
      %squeeze3A_237 = vector.extract %slice3A_236[0] : i32 from vector<1xi32>
      %add3A_238 = arith.constant 13 : i32
      %add3A_239 = arith.addi %mul3A_29, %add3A_238 : i32
      %dma_start3A_240 = arith.constant 0 : i32
      %dma_start3A_241 = tpu.memref_slice %arg6[%add3A_239, %dma_start3A_240] : memref<512x64xf32, #tpu.memory_space<vmem>> -> memref<1x64xf32, #tpu.memory_space<vmem>>
      %dma_start3A_242 = tpu.memref_squeeze %dma_start3A_241 : memref<1x64xf32, #tpu.memory_space<vmem>> -> memref<64xf32, #tpu.memory_space<vmem>>
      %dma_start3A_243 = arith.constant 0 : i32
      %dma_start3A_244 = tpu.memref_slice %arg2[%squeeze3A_237, %dma_start3A_243] : memref<1000001x64xf32, #tpu.memory_space<hbm>> -> memref<1x64xf32, #tpu.memory_space<hbm>>
      %dma_start3A_245 = tpu.memref_squeeze %dma_start3A_244 : memref<1x64xf32, #tpu.memory_space<hbm>> -> memref<64xf32, #tpu.memory_space<hbm>>
      %dma_start3A_246 = arith.constant 0 : i32
      %dma_start3A_247 = tpu.memref_slice %arg6[%add3A_239, %dma_start3A_246] : memref<512x64xf32, #tpu.memory_space<vmem>> -> memref<1x64xf32, #tpu.memory_space<vmem>>
      %dma_start3A_248 = tpu.memref_squeeze %dma_start3A_247 : memref<1x64xf32, #tpu.memory_space<vmem>> -> memref<64xf32, #tpu.memory_space<vmem>>
      %dma_start3A_249 = arith.constant 0 : i32
      %dma_start3A_250 = tpu.memref_slice %arg2[%squeeze3A_237, %dma_start3A_249] : memref<1000001x64xf32, #tpu.memory_space<hbm>> -> memref<1x64xf32, #tpu.memory_space<hbm>>
      %dma_start3A_251 = tpu.memref_squeeze %dma_start3A_250 : memref<1x64xf32, #tpu.memory_space<hbm>> -> memref<64xf32, #tpu.memory_space<hbm>>
      tpu.enqueue_dma source(%dma_start3A_251 : memref<64xf32, #tpu.memory_space<hbm>>) target(%dma_start3A_248 : memref<64xf32, #tpu.memory_space<vmem>>) target_semaphore(%arg8 : memref<!tpu.dma_semaphore, #tpu.memory_space<semaphore_mem>>)
      %slice3A_252 = vector.extract_strided_slice %get3A_27 {offsets = [14], sizes = [1], strides = [1]} : vector<16xi32> to vector<1xi32>
      %squeeze3A_253 = vector.extract %slice3A_252[0] : i32 from vector<1xi32>
      %add3A_254 = arith.constant 14 : i32
      %add3A_255 = arith.addi %mul3A_29, %add3A_254 : i32
      %dma_start3A_256 = arith.constant 0 : i32
      %dma_start3A_257 = tpu.memref_slice %arg6[%add3A_255, %dma_start3A_256] : memref<512x64xf32, #tpu.memory_space<vmem>> -> memref<1x64xf32, #tpu.memory_space<vmem>>
      %dma_start3A_258 = tpu.memref_squeeze %dma_start3A_257 : memref<1x64xf32, #tpu.memory_space<vmem>> -> memref<64xf32, #tpu.memory_space<vmem>>
      %dma_start3A_259 = arith.constant 0 : i32
      %dma_start3A_260 = tpu.memref_slice %arg2[%squeeze3A_253, %dma_start3A_259] : memref<1000001x64xf32, #tpu.memory_space<hbm>> -> memref<1x64xf32, #tpu.memory_space<hbm>>
      %dma_start3A_261 = tpu.memref_squeeze %dma_start3A_260 : memref<1x64xf32, #tpu.memory_space<hbm>> -> memref<64xf32, #tpu.memory_space<hbm>>
      %dma_start3A_262 = arith.constant 0 : i32
      %dma_start3A_263 = tpu.memref_slice %arg6[%add3A_255, %dma_start3A_262] : memref<512x64xf32, #tpu.memory_space<vmem>> -> memref<1x64xf32, #tpu.memory_space<vmem>>
      %dma_start3A_264 = tpu.memref_squeeze %dma_start3A_263 : memref<1x64xf32, #tpu.memory_space<vmem>> -> memref<64xf32, #tpu.memory_space<vmem>>
      %dma_start3A_265 = arith.constant 0 : i32
      %dma_start3A_266 = tpu.memref_slice %arg2[%squeeze3A_253, %dma_start3A_265] : memref<1000001x64xf32, #tpu.memory_space<hbm>> -> memref<1x64xf32, #tpu.memory_space<hbm>>
      %dma_start3A_267 = tpu.memref_squeeze %dma_start3A_266 : memref<1x64xf32, #tpu.memory_space<hbm>> -> memref<64xf32, #tpu.memory_space<hbm>>
      tpu.enqueue_dma source(%dma_start3A_267 : memref<64xf32, #tpu.memory_space<hbm>>) target(%dma_start3A_264 : memref<64xf32, #tpu.memory_space<vmem>>) target_semaphore(%arg8 : memref<!tpu.dma_semaphore, #tpu.memory_space<semaphore_mem>>)
      %slice3A_268 = vector.extract_strided_slice %get3A_27 {offsets = [15], sizes = [1], strides = [1]} : vector<16xi32> to vector<1xi32>
      %squeeze3A_269 = vector.extract %slice3A_268[0] : i32 from vector<1xi32>
      %add3A_270 = arith.constant 15 : i32
      %add3A_271 = arith.addi %mul3A_29, %add3A_270 : i32
      %dma_start3A_272 = arith.constant 0 : i32
      %dma_start3A_273 = tpu.memref_slice %arg6[%add3A_271, %dma_start3A_272] : memref<512x64xf32, #tpu.memory_space<vmem>> -> memref<1x64xf32, #tpu.memory_space<vmem>>
      %dma_start3A_274 = tpu.memref_squeeze %dma_start3A_273 : memref<1x64xf32, #tpu.memory_space<vmem>> -> memref<64xf32, #tpu.memory_space<vmem>>
      %dma_start3A_275 = arith.constant 0 : i32
      %dma_start3A_276 = tpu.memref_slice %arg2[%squeeze3A_269, %dma_start3A_275] : memref<1000001x64xf32, #tpu.memory_space<hbm>> -> memref<1x64xf32, #tpu.memory_space<hbm>>
      %dma_start3A_277 = tpu.memref_squeeze %dma_start3A_276 : memref<1x64xf32, #tpu.memory_space<hbm>> -> memref<64xf32, #tpu.memory_space<hbm>>
      %dma_start3A_278 = arith.constant 0 : i32
      %dma_start3A_279 = tpu.memref_slice %arg6[%add3A_271, %dma_start3A_278] : memref<512x64xf32, #tpu.memory_space<vmem>> -> memref<1x64xf32, #tpu.memory_space<vmem>>
      %dma_start3A_280 = tpu.memref_squeeze %dma_start3A_279 : memref<1x64xf32, #tpu.memory_space<vmem>> -> memref<64xf32, #tpu.memory_space<vmem>>
      %dma_start3A_281 = arith.constant 0 : i32
      %dma_start3A_282 = tpu.memref_slice %arg2[%squeeze3A_269, %dma_start3A_281] : memref<1000001x64xf32, #tpu.memory_space<hbm>> -> memref<1x64xf32, #tpu.memory_space<hbm>>
      %dma_start3A_283 = tpu.memref_squeeze %dma_start3A_282 : memref<1x64xf32, #tpu.memory_space<hbm>> -> memref<64xf32, #tpu.memory_space<hbm>>
      tpu.enqueue_dma source(%dma_start3A_283 : memref<64xf32, #tpu.memory_space<hbm>>) target(%dma_start3A_280 : memref<64xf32, #tpu.memory_space<vmem>>) target_semaphore(%arg8 : memref<!tpu.dma_semaphore, #tpu.memory_space<semaphore_mem>>)
    }
    %scan3A_16 = arith.constant 32 : i32
    %dma_wait3A_17 = arith.constant 0 : i32
    %dma_wait3A_18 = arith.constant 0 : i32
    %dma_wait3A_19 = tpu.memref_slice %arg2[%dma_wait3A_17, %dma_wait3A_18] : memref<1000001x64xf32, #tpu.memory_space<hbm>> -> memref<512x64xf32, #tpu.memory_space<hbm>>
    %dma_wait3A_20 = arith.constant 0 : i32
    %dma_wait3A_21 = arith.constant 0 : i32
    %dma_wait3A_22 = tpu.memref_slice %arg2[%dma_wait3A_20, %dma_wait3A_21] : memref<1000001x64xf32, #tpu.memory_space<hbm>> -> memref<512x64xf32, #tpu.memory_space<hbm>>
    tpu.wait_dma2 semaphore(%arg8 : memref<!tpu.dma_semaphore, #tpu.memory_space<semaphore_mem>>) src(%dma_wait3A_22 : memref<512x64xf32, #tpu.memory_space<hbm>>) dst(%arg6 : memref<512x64xf32, #tpu.memory_space<vmem>>)
    "tpu.region"() ({
      %run_scoped3A = tpu.sem_alloc : memref<!tpu.dma_semaphore, #tpu.memory_space<semaphore_mem>>
      %dma_start3A_23 = arith.constant 0 : i32
      %dma_start3A_24 = tpu.memref_slice %arg4[%mul3A_2, %dma_start3A_23] : memref<16384x64xf32, #tpu.memory_space<hbm>> -> memref<512x64xf32, #tpu.memory_space<hbm>>
      %dma_start3A_25 = arith.constant 0 : i32
      %dma_start3A_26 = tpu.memref_slice %arg4[%mul3A_2, %dma_start3A_25] : memref<16384x64xf32, #tpu.memory_space<hbm>> -> memref<512x64xf32, #tpu.memory_space<hbm>>
      tpu.enqueue_dma source(%arg6 : memref<512x64xf32, #tpu.memory_space<vmem>>) target(%dma_start3A_26 : memref<512x64xf32, #tpu.memory_space<hbm>>) target_semaphore(%run_scoped3A : memref<!tpu.dma_semaphore, #tpu.memory_space<semaphore_mem>>)
      %dma_wait3A_27 = arith.constant 0 : i32
      %dma_wait3A_28 = tpu.memref_slice %arg4[%mul3A_2, %dma_wait3A_27] : memref<16384x64xf32, #tpu.memory_space<hbm>> -> memref<512x64xf32, #tpu.memory_space<hbm>>
      %dma_wait3A_29 = arith.constant 0 : i32
      %dma_wait3A_30 = tpu.memref_slice %arg4[%mul3A_2, %dma_wait3A_29] : memref<16384x64xf32, #tpu.memory_space<hbm>> -> memref<512x64xf32, #tpu.memory_space<hbm>>
      tpu.wait_dma2 semaphore(%run_scoped3A : memref<!tpu.dma_semaphore, #tpu.memory_space<semaphore_mem>>) src(%arg6 : memref<512x64xf32, #tpu.memory_space<vmem>>) dst(%dma_wait3A_30 : memref<512x64xf32, #tpu.memory_space<hbm>>)
      tpu.yield
    }) : () -> ()
    return
  }
}

</mosaic_0001>

<sc_bundles>
// kernel: kernel.3.cloned.1.call-start
scs
__scs_entry_jumppad:
0x0: {  	(pc) =	sbr.rel $0x88, $3  }
0x1: {  	(tag) =	ssettag $0x0;
	lr =	simm.s32 $0x1  }
0x2: {  	[smem:$0x3F9F] =	sst lr;
	_ =	strace $0xD0000000  }
0x3: {  	_ = 	snop  }
0x4: {  	_ = 	snop  }
0x5: {  	_ = 	snop  }
0x6: {  	_ = 	snop  }
0x7: {  	_ = 	snop  }
__scs_overlays_trampoline_lowered:
0x8: {  	[smem:$0x3FAE] =	sst s0  }
0x9: {  	[smem:$0x3FAF] =	sst s1  }
0xa: {  	[smem:$0x3FB0] =	sst s2  }
0xb: {  	[smem:$0x3FB1] =	sst s3  }
0xc: {  	[smem:$0x3FB2] =	sst s4  }
0xd: {  	[smem:$0x3FB3] =	sst s5  }
0xe: {  	[smem:$0x3FB4] =	sst s6  }
0xf: {  	[smem:$0x3FB5] =	sst s7  }
0x10: {  	[smem:$0x3FB6] =	sst s8  }
0x11: {  	[smem:$0x3FB7] =	sst s9;
	s0 =	simm.s32 @!p0 $0x0  }
0x12: {  	s1 =	sld [smem:$0x3F9D];
	s0 =	simm.s32 @p0 $0x1  }
0x13: {  	[smem:$0x3FB8] =	sst s0;
	s0 =	simm.s32 @!p1 $0x0  }
0x14: {  	s2 =	sld [smem:$0x3F9C];
	s0 =	simm.s32 @p1 $0x1  }
0x15: {  	[smem:$0x3FB9] =	sst s0;
	s0 =	simm.s32 @!p2 $0x0  }
0x16: {  	s3 =	sld [smem:$0x3FDB];
	s0 =	simm.s32 @p2 $0x1  }
0x17: {  	s4 =	simm.s32 $0x1BF5;
	[smem:$0x3FBB] =	sst s0  }
0x18: {  	s0 =	sld [smem:$0x3F9E];
	_ =	swait.ge [sflag:s4], $0x0  }
0x19: {  	s7 =	sld [smem:$0x3F9F]  }
0x1a: {  	s8 =	sadd.s32 $0xFFFFE003, lr  }
0x1b: {  	s9 =	sadd.s32 $0xFFFFFEF7, lr;
	s5 =	simm.s32 $0xFFFFFFFF;
	p2 =	slt.u32 s8, $0xFFFFF086  }
0x1c: {  	p1 =	slt.u32 s9, $0xF7A;
	s5 =	simm.s32 @!p2 $0x0  }
0x1d: {  	s5 =	simm.s32 @p1 $0x1;
	p0 =	seq.s32 s7, s2  }
0x1e: {  	s7 =	smul.u32 @!p0 $0xF7A, s2;
	p2 =	seq.s32 @!p0 s5, $0x0  }
0x1f: {  	s9 =	smul.u32 $0xF7A, s1;
	s8 =	simm.s32 @!p0 $0x1BF5;
	p2 =	por !p2, p0  }
0x20: {  	[sflag:s8] =	ssyncset.s32 @!p0 $0xFFFFF086;
	s6 =	sadd.s32 @!p0 s3, s7;
	s7 =	simm.s32 @!p0 $0x108  }
0x21: {  	s3 =	sadd.s32 s3, s9;
	s6 =	sadd.s32 @!p0 $0x88, s6;
	s7 =	simm.s32 @p2 $0x1082  }
0x22: {  	[simem:s7], [sflag:s8] =	dma.local @!p0 [hbm:s6], $0xF7A  }
0x23: {  	s9 =	sor.u32 $0xD0000000, s2;
	s6 =	simm.s32 $0x108;
	_ =	swait.ge @!p0 [sflag:s8], $0x0  }
0x24: {  	s3 =	sadd.s32 $0x88, s3;
	s6 =	simm.s32 @!p1 $0x1082;
	[sflag:s4] =	ssyncset.s32 $0xFFFFF086  }
0x25: {  	[simem:s6], [sflag:s4] =	dma.local [hbm:s3], $0xF7A  }
0x26: {  	[smem:$0x3F9F] =	sst s1;
	(tag) =	ssettag s2;
	_ =	strace s9  }
0x27: {  	s1 =	sld [smem:$0x3FAF]  }
0x28: {  	s2 =	sld [smem:$0x3FB0]  }
0x29: {  	s4 =	sld [smem:$0x3FB2]  }
0x2a: {  	p0 =	seq.s32 s5, $0x0;
	s5 =	sld [smem:$0x3FB3]  }
0x2b: {  	s6 =	sld [smem:$0x3FB4]  }
0x2c: {  	s7 =	sld [smem:$0x3FB5]  }
0x2d: {  	s3 =	simm.s32 $0x108;
	s8 =	sld [smem:$0x3FB6]  }
0x2e: {  	s3 =	simm.s32 @!p0 $0x1082;
	s9 =	sld [smem:$0x3FB7]  }
0x2f: {  	lr =	sadd.s32 s0, s3;
	s0 =	sld [smem:$0x3FAE]  }
0x30: {  	s3 =	sld [smem:$0x3FB1]  }
0x31: {  	[smem:$0x3FBA] =	sst s10  }
0x32: {  	s10 =	sld [smem:$0x3FB8];
	_ =	sdelay $0x3  }
0x33: {  	p0 =	seq.s32 s10, $0x1;
	s10 =	sld [smem:$0x3FBA];
	_ =	sdelay $0x3  }
0x34: {  	[smem:$0x3FBA] =	sst s10  }
0x35: {  	s10 =	sld [smem:$0x3FB9];
	_ =	sdelay $0x3  }
0x36: {  	p1 =	seq.s32 s10, $0x1;
	s10 =	sld [smem:$0x3FBA];
	_ =	sdelay $0x3  }
0x37: {  	[smem:$0x3FBA] =	sst s10  }
0x38: {  	s10 =	sld [smem:$0x3FBB]  }
0x39: {  	_ = 	snop;
	(pc) =	sbr.ind lr, $3  }
0x3a: {  	_ = 	snop  }
0x3b: {  	_ = 	snop  }
0x3c: {  	p2 =	seq.s32 s10, $0x1;
	s10 =	sld [smem:$0x3FBA]  }
0x3d: {  	_ =	shalt  }
0x3e: {  	_ =	shalt  }
0x3f: {  	_ =	shalt  }
0x40: {  	_ =	shalt  }
0x41: {  	_ =	shalt  }
0x42: {  	_ =	shalt  }
0x43: {  	_ =	shalt  }
0x44: {  	_ =	shalt  }
0x45: {  	_ =	shalt  }
0x46: {  	_ =	shalt  }
0x47: {  	_ =	shalt  }
0x48: {  	_ =	shalt  }
0x49: {  	_ =	shalt  }
0x4a: {  	_ =	shalt  }
0x4b: {  	_ =	shalt  }
0x4c: {  	_ =	shalt  }
0x4d: {  	_ =	shalt  }
0x4e: {  	_ =	shalt  }
0x4f: {  	_ =	shalt  }
0x50: {  	_ =	shalt  }
0x51: {  	_ =	shalt  }
0x52: {  	_ =	shalt  }
0x53: {  	_ =	shalt  }
0x54: {  	_ =	shalt  }
0x55: {  	_ =	shalt  }
0x56: {  	_ =	shalt  }
0x57: {  	_ =	shalt  }
0x58: {  	_ =	shalt  }
0x59: {  	_ =	shalt  }
0x5a: {  	_ =	shalt  }
0x5b: {  	_ =	shalt  }
0x5c: {  	_ =	shalt  }
0x5d: {  	_ =	shalt  }
0x5e: {  	_ =	shalt  }
0x5f: {  	_ =	shalt  }
0x60: {  	_ =	shalt  }
0x61: {  	_ =	shalt  }
0x62: {  	_ =	shalt  }
0x63: {  	_ =	shalt  }
0x64: {  	_ =	shalt  }
0x65: {  	_ =	shalt  }
0x66: {  	_ =	shalt  }
0x67: {  	_ =	shalt  }
0x68: {  	_ =	shalt  }
0x69: {  	_ =	shalt  }
0x6a: {  	_ =	shalt  }
0x6b: {  	_ =	shalt  }
0x6c: {  	_ =	shalt  }
0x6d: {  	_ =	shalt  }
0x6e: {  	_ =	shalt  }
0x6f: {  	_ =	shalt  }
0x70: {  	_ =	shalt  }
0x71: {  	_ =	shalt  }
0x72: {  	_ =	shalt  }
0x73: {  	_ =	shalt  }
0x74: {  	_ =	shalt  }
0x75: {  	_ =	shalt  }
0x76: {  	_ =	shalt  }
0x77: {  	_ =	shalt  }
0x78: {  	_ =	shalt  }
0x79: {  	_ =	shalt  }
0x7a: {  	_ =	shalt  }
0x7b: {  	_ =	shalt  }
0x7c: {  	_ =	shalt  }
0x7d: {  	_ =	shalt  }
0x7e: {  	_ =	shalt  }
0x7f: {  	_ =	shalt  }
0x80: {  	_ =	shalt  }
0x81: {  	_ =	shalt  }
0x82: {  	_ =	shalt  }
0x83: {  	_ =	shalt  }
0x84: {  	_ =	shalt  }
0x85: {  	_ =	shalt  }
0x86: {  	_ =	shalt  }
0x87: {  	_ =	shalt  }
.Lfunc_end0:
.L_simem_size_0:
called_computation_lowered:
.L_overlay_start_0:
0x88: {  	s2 =	sld [smem:$0x3FD9]  }
0x89: {  	s3 =	sld [smem:$0x3FFE];
	_ =	sdelay $0x1  }
0x8a: {  	s1 =	srdreg.scid  }
0x8b: {  	s0 =	sand.u32 $0x1, s1  }
0x8c: {  	s17 =	sshll.u32 s0, $0xA;
	s2 =	sadd.s32 s3, s2  }
0x8d: {  	s2 =	sadd.s32 s2, s17  }
0x8e: {  	[smem:$0x3FC6] =	sst s2  }
0x8f: {  	_ = 	snop  }
0x90: {  	s2 =	sld [smem:$0x3FD0];
	(tm) =	ssettm $0x1  }
0x91: {  	s18 =	sld [smem:$0x3FFB];
	_ =	sdelay $0x3  }
0x92: {  	_ =	strace s18  }
0x93: {  	s3 =	sld [smem:$0x3FFC];
	_ =	sdelay $0x3  }
0x94: {  	_ =	strace s3  }
0x95: {  	s3 =	sld [smem:$0x3FFD];
	_ =	sdelay $0x3  }
0x96: {  	_ =	strace s3  }
0x97: {  	_ =	strace $0x8FFFFFFF  }
0x98: {  	s19 =	sld [smem:$0x3FDB];
	_ =	sdelay $0x1  }
0x99: {  	s4 =	simm.s32 $_scs_section_size  }
0x9a: {  	s5 =	simm.s32 $_size__tile_overlayer_lowered;
	s6 =	simm.s32 $_tile_overlayer_lowered  }
0x9b: {  	s22 =	simm.s32 $0x1BFF;
	s21 =	sshll.u32 s6, $0x1;
	s3 =	sadd.s32 s4, s19  }
0x9c: {  	s7 =	simm.s32 $0x0;
	s20 =	sshll.u32 s5, $0x1;
	s5 =	sadd.s32 s21, s3  }
0x9d: {  	[timem:s7], [sflag:s22] =	dma.local [hbm:s5], s20  }
0x9e: {  	_ =	swait.ge [sflag:s22], s20  }
0x9f: {  	s4 =	ssub.s32 $0x0, s20;
	[sflag:s22] =	ssyncset.done $0x0  }
0xa0: {  	[sflag:s22] =	ssyncadd.s32 s4;
	_ =	sdelay $0x1  }
0xa1: {  	s23 =	simm.s32 $0x1B8B  }
0xa2: {  	_ =	swait.ge [sflag:s23], $0x1  }
0xa3: {  	[sflag:s23] =	ssyncset.done $0x0  }
0xa4: {  	s25 =	simm.s32 $0x1B8E;
	s24 =	sld [smem:$0x3FFE];
	[sflag:s23] =	ssyncadd.s32 $0xFFFFFFFF  }
0xa5: {  	s26 =	simm.s32 $execute0_lowered;
	[smem:$0x3FD2] =	sst s25  }
0xa6: {  	s5 =	sshll.u32 s26, $0x1;
	_ =	strace $0x80000046;
	[dreg:$0x1] =	wrdreg $0xFFFFFFFF  }
0xa7: {  	s28 =	simm.s32 $_size_execute0_lowered;
	s3 =	sadd.s32 s3, s5;
	[dreg:$0x0] =	wrdreg $0x0  }
0xa8: {  	s5 =	sshll.u32 s28, $0x1;
	[dreg:$0x2] =	wrdreg s3  }
0xa9: {  	[dreg:$0x3] =	wrdreg s5  }
0xaa: {  	[dreg:$0x4] =	wrdreg $0xC0  }
0xab: {  	_ =	task [dreg:s7], $0x5FFFF  }
0xac: {  	[dreg:$0x1] =	wrdreg $0xFFFFFFFF  }
0xad: {  	[dreg:$0x0] =	wrdreg $0x60  }
0xae: {  	[dreg:$0x2] =	wrdreg s24  }
0xaf: {  	[dreg:$0x3] =	wrdreg s2  }
0xb0: {  	[dreg:$0x4] =	wrdreg $0x9  }
0xb1: {  	_ =	task.clear_ibuf [dreg:s7], $0x5FFFF;
	_ =	strace $0x90000046  }
0xb2: {  	s29 =	simm.s32 $0x9;
	_ =	strace $0x80000048  }
0xb3: {  	_ =	swait.ge [sflag:s29], $0x1  }
0xb4: {  	[sflag:s29] =	ssyncadd.s32 $0xFFFFFFFF  }
0xb5: {  	_ =	strace $0x90000048  }
0xb6: {  	_ =	sfence  }
0xb7: {  	s30 =	sld [smem:$0x0];
	_ =	sdelay $0x2  }
0xb8: {  	s31 =	sshll.u32 s1, $0xD;
	s1 =	sshrl.u32 s1, $0x2  }
0xb9: {  	s3 =	sand.u32 $0x4000, s31;
	s1 =	sadd.s32 s1, s30  }
0xba: {  	s0 =	sor.u32 s3, s0;
	s1 =	sshll.u32 s1, $0x11  }
0xbb: {  	s0 =	sor.u32 s1, s0  }
0xbc: {  	s0 =	sadd.s32 $0x8F2B, s0  }
0xbd: {  	[sflag:s0] =	ssyncadd.remote.s32 $0x1  }
0xbe: {  	_ =	sfence.sel $0xFFFF  }
0xbf: {  	[dreg:$0x0] =	wrdreg $0xFFFFFFFF;
	(pc) =	sbr.abs _section_cstart, $3  }
0xc0: {  	[dreg:$0x1] =	wrdreg $0xFFFFFFFF  }
0xc1: {  	_ =	task.clear_ibuf [dreg:s7], $0x2FFFF;
	_ =	strace $0x9FFFFFFF  }
0xc2: {  	(tm) =	ssettm $0x7FFFFFFF  }
0xc3: {  	_ =	shalt  }
tec
execute0_lowered:
.L_overlay_start_1:
0x0: {  	(tag) =	ssettag $0x1  }
0x1: {  	s4 =	rddreg [dreg:$0x0]  }
0x2: {  	s5 =	rddreg [dreg:$0x1];
	s2 =	simm.s32 $0x0  }
0x3: {  	s3 =	srdreg.scid;
	s0 =	stileid.u32;
	s11 =	simm.s32 $0x200  }
0x4: {  	s12 =	simm.s32 $0x3;
	s13 =	simm.s32 $0x0;
	[smem:$0x7FF] =	sst s2  }
0x5: {  	s6 =	sand.u32 $0x1, s3;
	s31 =	sshll.u32 s0, $0x1;
	s3 =	sadd.s32 $0x400, s4  }
0x6: {  	s9 =	sshll.u32 s0, $0x7;
	_ =	strace $0x80000047;
	s7 =	sor.u32 s6, s31  }
0x7: {  	s6 =	ssub.s32 $0x2, s6;
	s9 =	sand.u32 $0x600, s9;
	s8 =	sshll.u32 s7, $0xD  }
0x8: {  	s7 =	sshll.u32 s7, $0x4;
	s10 =	sshrl.u32 s6, $0x1;
	s5 =	sadd.s32 s5, s9  }
0x9: {  	s9 =	simm.s32 $0x1;
	s7 =	sand.u32 $0x70, s7;
	s8 =	sadd.s32 s8, s4  }
0xa: {  	s6 =	ssub.s32 s6, s10;
	s10 =	simm.s32 $0x2;
	s4 =	sadd.s32 s7, s5  }
0xb: {  	s5 =	sadd.s32 $0xF42A00, s8;
	s6 =	smax.u32 s6, $0x1;
	s8 =	simm.s32 $0x400  }
.LBB2_1:
0xc: {  	s0 =	simm.s32 $0x80  }
0xd: {  	[tilespmem:s2], [sflag:$0x1] =	stream.strided.gather [hbm4b:s4+s0], $0x200, s8, s0, $0x38;
	[tilespmem:$0x10200] =	vst v63  }
0xe: {  	_ =	swait.ge [sflag:s9], $0x200  }
0xf: {  	[sflag:s9] =	ssyncset.done $0x0  }
0x10: {  	[sflag:s9] =	ssyncadd.s32 $0xFFFFFE00  }
0x11: {  	v0 =	vld [tilespmem:s2+$0x0];
	_ =	sdelay $0x4  }
0x12: {  	v0 =	vshll.u32 v0, $0x4  }
0x13: {  	(v2sf) =	vpush v0, $0x0  }
0x14: {  	(v2sf) =	vpush v0, $0x1  }
0x15: {  	(v2sf) =	vpush v0, $0x2;
	_ =	sdelay $0x1  }
0x16: {  	(v2sf) =	vpush v0, $0x4;
	_ =	sdelay $0x1  }
0x17: {  	(v2sf) =	vpush v0, $0x3  }
0x18: {  	(v2sf) =	vpush v0, $0x5  }
0x19: {  	s15 =	simm.s32 $0x2000;
	s14 =	simm.s32 $0x0;
	s16 =	simm.s32 $0x0;
	(v2sf) =	vpush v0, $0x6  }
.LBB2_2:
0x1a: {  	p0 =	sne.s32 s15, $0x3E000  }
0x1b: {  	s26 =	sadd.s32 $0x280, s14;
	s20 =	sadd.s32 $0x780, s14;
	s17 =	smov.u32 s15  }
0x1c: {  	s15 =	sadd.s32 $0x2000, s15;
	s23 =	sadd.s32 $0x580, s14;
	s18 =	sadd.s32 $0x800, s14;
	(v2sf) =	vpush v0, $0x7  }
0x1d: {  	s25 =	sadd.s32 $0x480, s14;
	s22 =	sadd.s32 $0x600, s14;
	s19 =	sadd.s32 $0x880, s14  }
0x1e: {  	s28 =	sadd.s32 $0x200, s14;
	s29 =	sadd.s32 $0x400, s14;
	(v2sf) =	vpush v0, $0x8  }
0x1f: {  	s30 =	sadd.s32 $0x500, s14;
	s16 =	sadd.s32 $0x10, s16  }
0x20: {  	s31 =	sadd.s32 $0x300, s14;
	s21 =	sadd.s32 $0x700, s14;
	s24 =	spop (v2sf);
	(v2sf) =	vpush v0, $0x9  }
0x21: {  	s0 =	sand.u32 $0x1FFFFFF0, s24;
	s24 =	sadd.s32 $0x680, s14;
	s1 =	spop (v2sf)  }
0x22: {  	s0 =	sadd.s32 s3, s0;
	s1 =	sand.u32 $0x1FFFFFF0, s1;
	s7 =	spop (v2sf);
	(v2sf) =	vpush v0, $0xA  }
0x23: {  	[tilespmem:s28], [sflag:$0x2] =	stream.linear.gather [hbm4b:s0+s2], $0x80, $0x38;
	[tilespmem:$0x10200] =	vst v63  }
0x24: {  	s0 =	sadd.s32 s3, s1;
	s1 =	sadd.s32 $0x380, s14;
	s28 =	spop (v2sf);
	(v2sf) =	vpush v0, $0xB  }
0x25: {  	[tilespmem:s26], [sflag:$0x2] =	stream.linear.gather [hbm4b:s0+s2], $0x80, $0x38;
	[tilespmem:$0x10200] =	vst v63  }
0x26: {  	s0 =	sand.u32 $0x1FFFFFF0, s7;
	s7 =	sand.u32 $0x1FFFFFF0, s28;
	s26 =	spop (v2sf);
	(v2sf) =	vpush v0, $0xC  }
0x27: {  	s0 =	sadd.s32 s3, s0;
	s26 =	sand.u32 $0x1FFFFFF0, s26;
	s28 =	spop (v2sf)  }
0x28: {  	[tilespmem:s31], [sflag:$0x2] =	stream.linear.gather [hbm4b:s0+s2], $0x80, $0x38;
	(v2sf) =	vpush v0, $0xD;
	[tilespmem:$0x10200] =	vst v63  }
0x29: {  	s0 =	sadd.s32 s3, s26;
	s26 =	sand.u32 $0x1FFFFFF0, s28;
	s28 =	spop (v2sf)  }
0x2a: {  	[tilespmem:s1], [sflag:$0x2] =	stream.linear.gather [hbm4b:s0+s2], $0x80, $0x38;
	(v2sf) =	vpush v0, $0xE;
	[tilespmem:$0x10200] =	vst v63  }
0x2b: {  	s0 =	sadd.s32 s3, s7;
	s1 =	sand.u32 $0x1FFFFFF0, s28;
	s7 =	spop (v2sf)  }
0x2c: {  	[tilespmem:s29], [sflag:$0x2] =	stream.linear.gather [hbm4b:s0+s2], $0x80, $0x38;
	(v2sf) =	vpush v0, $0xF;
	[tilespmem:$0x10200] =	vst v63  }
0x2d: {  	s0 =	sadd.s32 s3, s26;
	s7 =	sand.u32 $0x1FFFFFF0, s7;
	s26 =	spop (v2sf)  }
0x2e: {  	[tilespmem:s25], [sflag:$0x2] =	stream.linear.gather [hbm4b:s0+s2], $0x80, $0x38;
	[tilespmem:$0x10200] =	vst v63  }
0x2f: {  	s0 =	sadd.s32 s3, s1;
	s1 =	sand.u32 $0x1FFFFFF0, s26;
	s25 =	spop (v2sf)  }
0x30: {  	[tilespmem:s30], [sflag:$0x2] =	stream.linear.gather [hbm4b:s0+s2], $0x80, $0x38;
	[tilespmem:$0x10200] =	vst v63  }
0x31: {  	s0 =	sadd.s32 s3, s7;
	s7 =	sand.u32 $0x1FFFFFF0, s25;
	s25 =	spop (v2sf)  }
0x32: {  	[tilespmem:s23], [sflag:$0x2] =	stream.linear.gather [hbm4b:s0+s2], $0x80, $0x38;
	[tilespmem:$0x10200] =	vst v63  }
0x33: {  	s0 =	sadd.s32 s3, s1;
	s1 =	sand.u32 $0x1FFFFFF0, s25;
	s23 =	spop (v2sf)  }
0x34: {  	[tilespmem:s22], [sflag:$0x2] =	stream.linear.gather [hbm4b:s0+s2], $0x80, $0x38;
	[tilespmem:$0x10200] =	vst v63  }
0x35: {  	s0 =	sadd.s32 s3, s7;
	s7 =	sand.u32 $0x1FFFFFF0, s23;
	s22 =	spop (v2sf)  }
0x36: {  	[tilespmem:s24], [sflag:$0x2] =	stream.linear.gather [hbm4b:s0+s2], $0x80, $0x38;
	[tilespmem:$0x10200] =	vst v63  }
0x37: {  	s0 =	sadd.s32 s3, s1;
	s1 =	sand.u32 $0x1FFFFFF0, s22;
	s22 =	spop (v2sf)  }
0x38: {  	[tilespmem:s21], [sflag:$0x2] =	stream.linear.gather [hbm4b:s0+s2], $0x80, $0x38;
	[tilespmem:$0x10200] =	vst v63  }
0x39: {  	s0 =	sadd.s32 s3, s7;
	s7 =	sand.u32 $0x1FFFFFF0, s22;
	s21 =	spop (v2sf)  }
0x3a: {  	[tilespmem:s20], [sflag:$0x2] =	stream.linear.gather [hbm4b:s0+s2], $0x80, $0x38;
	[tilespmem:$0x10200] =	vst v63  }
0x3b: {  	s0 =	sadd.s32 s3, s1;
	s1 =	sand.u32 $0x1FFFFFF0, s21;
	s20 =	spop (v2sf)  }
0x3c: {  	[tilespmem:s18], [sflag:$0x2] =	stream.linear.gather [hbm4b:s0+s2], $0x80, $0x38;
	[tilespmem:$0x10200] =	vst v63  }
0x3d: {  	s0 =	sadd.s32 s3, s7;
	s7 =	sand.u32 $0x1FFFFFF0, s20  }
0x3e: {  	[tilespmem:s19], [sflag:$0x2] =	stream.linear.gather [hbm4b:s0+s2], $0x80, $0x38;
	[tilespmem:$0x10200] =	vst v63  }
0x3f: {  	s1 =	sadd.s32 s3, s1;
	s0 =	sadd.s32 $0x900, s14  }
0x40: {  	[tilespmem:s0], [sflag:$0x2] =	stream.linear.gather [hbm4b:s1+s2], $0x80, $0x38;
	[tilespmem:$0x10200] =	vst v63  }
0x41: {  	s0 =	sadd.s32 $0x980, s14;
	s1 =	sadd.s32 s3, s7  }
0x42: {  	[tilespmem:s0], [sflag:$0x2] =	stream.linear.gather [hbm4b:s1+s2], $0x80, $0x38;
	[tilespmem:$0x10200] =	vst v63  }
0x43: {  	v0 =	vld [tilespmem:s16+$0x0];
	_ =	sdelay $0x4  }
0x44: {  	v0 =	vshll.u32 v0, $0x4  }
0x45: {  	(v2sf) =	vpush v0, $0x0  }
0x46: {  	(v2sf) =	vpush v0, $0x1  }
0x47: {  	(v2sf) =	vpush v0, $0x2;
	_ =	sdelay $0x1  }
0x48: {  	(v2sf) =	vpush v0, $0x4  }
.Ltmp0:
0x49: {  	(pc) =	sbr.rel @p0 .LBB2_2-.Ltmp0, $3  }
0x4a: {  	(v2sf) =	vpush v0, $0x3  }
0x4b: {  	(v2sf) =	vpush v0, $0x5;
	_ =	sdelay $0x1  }
0x4c: {  	s14 =	sshra.s32 s17, $0x2;
	(v2sf) =	vpush v0, $0x6  }
0x4d: {  	_ =	sdelay $0x1  }
0x4e: {  	s0 =	sadd.s32 $0x280, s14;
	s17 =	sadd.s32 $0x780, s14  }
0x4f: {  	s1 =	sadd.s32 $0x580, s14;
	s15 =	sadd.s32 $0x800, s14;
	(v2sf) =	vpush v0, $0x7;
	s7 =	sadd.s32 $0x480, s14  }
0x50: {  	s18 =	sadd.s32 $0x600, s14;
	s16 =	sadd.s32 $0x880, s14;
	s19 =	sadd.s32 $0x200, s14  }
0x51: {  	s20 =	sadd.s32 $0x400, s14;
	s21 =	sadd.s32 $0x500, s14;
	(v2sf) =	vpush v0, $0x8;
	s22 =	spop (v2sf)  }
0x52: {  	s23 =	sadd.s32 $0x300, s14;
	s22 =	sand.u32 $0x1FFFFFF0, s22;
	s24 =	spop (v2sf)  }
0x53: {  	(v2sf) =	vpush v0, $0x9;
	s22 =	sadd.s32 s3, s22;
	s24 =	sand.u32 $0x1FFFFFF0, s24;
	s25 =	spop (v2sf)  }
0x54: {  	[tilespmem:s19], [sflag:$0x2] =	stream.linear.gather [hbm4b:s22+s2], $0x80, $0x38;
	[tilespmem:$0x10200] =	vst v63  }
0x55: {  	(v2sf) =	vpush v0, $0xA;
	s26 =	sadd.s32 s3, s24;
	s29 =	sand.u32 $0x1FFFFFF0, s25;
	s28 =	spop (v2sf)  }
0x56: {  	[tilespmem:s0], [sflag:$0x2] =	stream.linear.gather [hbm4b:s26+s2], $0x80, $0x38;
	[tilespmem:$0x10200] =	vst v63  }
0x57: {  	s19 =	sadd.s32 $0x700, s14;
	(v2sf) =	vpush v0, $0xB;
	s22 =	sadd.s32 s3, s29;
	s30 =	spop (v2sf)  }
0x58: {  	s0 =	sadd.s32 $0x680, s14;
	s26 =	sadd.s32 $0x380, s14;
	s25 =	sand.u32 $0x1FFFFFF0, s30  }
0x59: {  	(v2sf) =	vpush v0, $0xC;
	[tilespmem:s23], [sflag:$0x2] =	stream.linear.gather [hbm4b:s22+s2], $0x80, $0x38;
	[tilespmem:$0x10200] =	vst v63  }
0x5a: {  	s31 =	sand.u32 $0x1FFFFFF0, s28;
	s28 =	spop (v2sf);
	s29 =	sadd.s32 s3, s25  }
0x5b: {  	(v2sf) =	vpush v0, $0xD;
	[tilespmem:s26], [sflag:$0x2] =	stream.linear.gather [hbm4b:s29+s2], $0x80, $0x38;
	[tilespmem:$0x10200] =	vst v63  }
0x5c: {  	s22 =	sadd.s32 s3, s31;
	s23 =	sand.u32 $0x1FFFFFF0, s28;
	s30 =	spop (v2sf)  }
0x5d: {  	(v2sf) =	vpush v0, $0xE;
	[tilespmem:s20], [sflag:$0x2] =	stream.linear.gather [hbm4b:s22+s2], $0x80, $0x38;
	[tilespmem:$0x10200] =	vst v63  }
0x5e: {  	s23 =	sadd.s32 s3, s23;
	s31 =	sand.u32 $0x1FFFFFF0, s30;
	s24 =	spop (v2sf)  }
0x5f: {  	(v2sf) =	vpush v0, $0xF;
	[tilespmem:s7], [sflag:$0x2] =	stream.linear.gather [hbm4b:s23+s2], $0x80, $0x38;
	[tilespmem:$0x10200] =	vst v63  }
0x60: {  	s25 =	sand.u32 $0x1FFFFFF0, s24;
	s26 =	spop (v2sf);
	s20 =	sadd.s32 s3, s31  }
0x61: {  	[tilespmem:s21], [sflag:$0x2] =	stream.linear.gather [hbm4b:s20+s2], $0x80, $0x38;
	[tilespmem:$0x10200] =	vst v63  }
0x62: {  	s28 =	sand.u32 $0x1FFFFFF0, s26;
	s7 =	sadd.s32 s3, s25;
	s29 =	spop (v2sf)  }
0x63: {  	[tilespmem:s1], [sflag:$0x2] =	stream.linear.gather [hbm4b:s7+s2], $0x80, $0x38;
	[tilespmem:$0x10200] =	vst v63  }
0x64: {  	s20 =	sadd.s32 s3, s28;
	s30 =	sand.u32 $0x1FFFFFF0, s29;
	s31 =	spop (v2sf)  }
0x65: {  	[tilespmem:s18], [sflag:$0x2] =	stream.linear.gather [hbm4b:s20+s2], $0x80, $0x38;
	[tilespmem:$0x10200] =	vst v63  }
0x66: {  	s7 =	sand.u32 $0x1FFFFFF0, s31;
	s1 =	sadd.s32 s3, s30;
	s20 =	spop (v2sf)  }
0x67: {  	[tilespmem:s0], [sflag:$0x2] =	stream.linear.gather [hbm4b:s1+s2], $0x80, $0x38;
	[tilespmem:$0x10200] =	vst v63  }
0x68: {  	s7 =	sadd.s32 s3, s7;
	s21 =	sand.u32 $0x1FFFFFF0, s20;
	s22 =	spop (v2sf)  }
0x69: {  	[tilespmem:s19], [sflag:$0x2] =	stream.linear.gather [hbm4b:s7+s2], $0x80, $0x38;
	[tilespmem:$0x10200] =	vst v63  }
0x6a: {  	s0 =	sadd.s32 s3, s21;
	s1 =	sand.u32 $0x1FFFFFF0, s22;
	s23 =	spop (v2sf)  }
0x6b: {  	[tilespmem:s17], [sflag:$0x2] =	stream.linear.gather [hbm4b:s0+s2], $0x80, $0x38;
	[tilespmem:$0x10200] =	vst v63  }
0x6c: {  	s24 =	sand.u32 $0x1FFFFFF0, s23;
	s1 =	sadd.s32 s3, s1;
	s25 =	spop (v2sf)  }
0x6d: {  	[tilespmem:s15], [sflag:$0x2] =	stream.linear.gather [hbm4b:s1+s2], $0x80, $0x38;
	[tilespmem:$0x10200] =	vst v63  }
0x6e: {  	s26 =	sand.u32 $0x1FFFFFF0, s25;
	s28 =	spop (v2sf);
	s0 =	sadd.s32 s3, s24  }
0x6f: {  	[tilespmem:s16], [sflag:$0x2] =	stream.linear.gather [hbm4b:s0+s2], $0x80, $0x38;
	[tilespmem:$0x10200] =	vst v63  }
0x70: {  	s30 =	sadd.s32 $0x900, s14;
	s29 =	sand.u32 $0x1FFFFFF0, s28;
	s1 =	sadd.s32 s3, s26  }
0x71: {  	[tilespmem:s30], [sflag:$0x2] =	stream.linear.gather [hbm4b:s1+s2], $0x80, $0x38;
	[tilespmem:$0x10200] =	vst v63  }
0x72: {  	s31 =	sadd.s32 $0x980, s14;
	s0 =	sadd.s32 s3, s29  }
0x73: {  	[tilespmem:s31], [sflag:$0x2] =	stream.linear.gather [hbm4b:s0+s2], $0x80, $0x38;
	[tilespmem:$0x10200] =	vst v63  }
0x74: {  	s13 =	sadd.s32 $0x1, s13;
	_ =	swait.ge [sflag:s10], $0x10000  }
0x75: {  	p0 =	sne.s32 s13, s6;
	[sflag:s10] =	ssyncset.done $0x0  }
.Ltmp1:
0x76: {  	[sflag:s10] =	ssyncadd.s32 $0xFFFF0000;
	(pc) =	sbr.rel @p0 .LBB2_1-.Ltmp1, $4  }
0x77: {  	[hbm4b:s5+s2] =	stream.linear.scatter [tilespmem:s11], [sflag:$0x3], $0x10000, $0x38;
	[tilespmem:$0x10200] =	vst v63  }
0x78: {  	_ =	swait.ge [sflag:s12], $0x10000  }
0x79: {  	[sflag:s12] =	ssyncset.done $0x0  }
0x7a: {  	[sflag:s12] =	ssyncadd.s32 $0xFFFF0000  }
0x7b: {  	_ =	sfence.sel $0x180000  }
0x7c: {  	[bflag:$0x0] =	sbarrier.arrive $0xFFFF  }
0x7d: {  	_ =	strace $0x90000047  }
0x7e: {  	s0 =	stileid.u32;
	[bflag:$0x2] =	sbarrier.arrive $0xFFFF  }
0x7f: {  	p0 =	sne.s32 s0, $0x0;
	s0 =	rddreg [dreg:$0x2]  }
0x80: {  	s0 =	sadd.s32 @!p0 $0x100000, s0  }
0x81: {  	[sflag:s0] =	ssyncadd.tile.s32 @!p0 $0x1;
	_ =	shalt  }
.Lfunc_end2:
_tile_overlayer_lowered:
.L_overlay_start_2:
0x82: {  	(tag) =	ssettag $0x2  }
0x83: {  	s0 =	rddreg [dreg:$0x0];
	s2 =	stileid.u32  }
0x84: {  	s1 =	rddreg [dreg:$0x1];
	p0 =	sne.s32 s2, $0x0  }
0x85: {  	s3 =	rddreg [dreg:$0x2];
	[bflag:$0x3] =	sbarrier.arrive $0xFFFF;
	s2 =	simm.s32 @!p0 $0x1C03  }
0x86: {  	[timem:s3], [sflag:s2] =	dma.local @!p0 [hbm:s0], s1  }
0x87: {  	s0 =	simm.s32 @!p0 $0x3  }
0x88: {  	_ =	swait.ge @!p0 [sflag:s0], s1  }
0x89: {  	s1 =	ssub.s32 @!p0 $0x0, s1;
	[sflag:s0] =	ssyncset.done @!p0 $0x0  }
0x8a: {  	[sflag:s0] =	ssyncadd.s32 @!p0 s1  }
0x8b: {  	[bflag:$0x3] =	sbarrier.arrive $0xFFFF  }
0x8c: {  	_ =	shalt  }

</sc_bundles>
